<compile_context>
chip_gen: v7x
topology: tpu7x:2x2x1
jax: 0.10.2.dev20260603
libtpu: 0.0.44.dev20260713+nightly
codegen_flags: <defaults>
</compile_context>

<pallas_src>
import jax
import jax.numpy as jnp
from jax import lax
from jax.experimental import pallas as pl
from jax.experimental.pallas import tpu as pltpu
from jax.experimental.pallas import tpu_sc as plsc

VOCAB = 100000
MAX_LEN = 200
EMBED = 64
B = 4096
L = 200

NC = 2
NS = 16
NW = NC * NS

ROWS = B * L
ROWS_PER_W = ROWS // NW
CHUNK = 128
NBUF = 2
CHUNKS_PER_W = ROWS_PER_W // CHUNK
NGROUPS = CHUNKS_PER_W // NBUF


def _body(x_hbm, wt_hbm, pos_hbm, out_hbm, idx_v, pos_v, *rest):
  gbuf = rest[0:NBUF]
  obuf = rest[NBUF:2 * NBUF]
  gsem = rest[2 * NBUF:3 * NBUF]
  ssem = rest[3 * NBUF:4 * NBUF]

  cid = lax.axis_index("c")
  sid = lax.axis_index("s")
  wid = sid * NC + cid
  idx_base = wid * CHUNKS_PER_W
  row_base = wid * ROWS_PER_W

  pltpu.sync_copy(x_hbm.at[pl.ds(idx_base, CHUNKS_PER_W)], idx_v)
  pltpu.sync_copy(pos_hbm, pos_v)

  def gather_start(c, b):
    pltpu.async_copy(wt_hbm.at[idx_v.at[c]], gbuf[b], gsem[b])

  def gather_wait(b):
    pltpu.make_async_copy(wt_hbm.at[idx_v.at[0]], gbuf[b], gsem[b]).wait()

  def store_start(c, b):
    pltpu.async_copy(obuf[b], out_hbm.at[pl.ds(row_base + c * CHUNK, CHUNK)],
                     ssem[b])

  def store_wait(b):
    pltpu.make_async_copy(obuf[b], out_hbm.at[pl.ds(row_base, CHUNK)],
                          ssem[b]).wait()

  for b in range(NBUF):
    gather_start(b, b)

  def group(g, carry):
    for b in range(NBUF):
      c = g * NBUF + b
      gather_wait(b)

      @pl.when(g > 0)
      def _():
        store_wait(b)

      phase = lax.rem(c * CHUNK, MAX_LEN)

      def add_row(r, acc):
        p = phase + r
        pr = lax.shift_right_logical(p, 1)
        pc = lax.shift_left(lax.bitwise_and(p, 1), 6)
        for k in range(EMBED // 16):
          sl = pl.ds(k * 16, 16)
          obuf[b][r, sl] = gbuf[b][r, sl] + pos_v[pr, pl.ds(pc + k * 16, 16)]
        return acc

      lax.fori_loop(0, 1, add_row, 0, unroll=1)
      store_start(c, b)

      @pl.when(g < NGROUPS - 1)
      def _():
        gather_start(c + NBUF, b)
    return carry

  lax.fori_loop(0, NGROUPS, group, 0)
  for b in range(NBUF):
    store_wait(b)


@jax.jit
def _emb(x2, wt2, pos2):
  mesh = plsc.VectorSubcoreMesh(core_axis_name="c", subcore_axis_name="s")
  out = pl.kernel(
      _body,
      out_type=jax.ShapeDtypeStruct((ROWS, EMBED), jnp.float32),
      mesh=mesh,
      compiler_params=pltpu.CompilerParams(use_tc_tiling_on_sc=True,
                                           needs_layout_passes=False),
      scratch_types=(
          [pltpu.VMEM((CHUNKS_PER_W, CHUNK), jnp.int32),
           pltpu.VMEM((MAX_LEN, 2 * EMBED), jnp.float32)]
          + [pltpu.VMEM((CHUNK, 2 * EMBED), jnp.float32)] * NBUF
          + [pltpu.VMEM((CHUNK, EMBED), jnp.float32)] * NBUF
          + [pltpu.SemaphoreType.DMA] * (2 * NBUF)
      ),
  )(x2, wt2, pos2)
  return out


def kernel(x, word_table, pos_table):
  x2 = x.astype(jnp.int32).reshape(ROWS // CHUNK, CHUNK)
  wt2 = jnp.concatenate([word_table, word_table], axis=1)
  posd = jnp.concatenate([pos_table, pos_table], axis=0)
  pos2 = posd.reshape(MAX_LEN, 2 * EMBED)
  out = _emb(x2, wt2, pos2)
  return out.reshape(B, L, EMBED)

# --- scband reference (transcript-rebuilt; emitter-appended) ---
"""Pipeline reference for scband-embedding-49615462203807 (READ-ONLY COPY).

The authoritative reference and input builder live on the scoring server;
editing this copy changes nothing except your own understanding.
"""

import jax, jax.numpy as jnp
import numpy as np

VOCAB = 100000
MAX_LEN = 200
EMBED = 64
B = 4096
L = 200

def setup_inputs(seed: int = 0) -> dict:
    key = jax.random.key(seed)
    k1, k2, k3 = jax.random.split(key, 3)
    x = jax.random.randint(k1, (B, L), 0, VOCAB, dtype=jnp.int64 if jax.config.jax_enable_x64 else jnp.int32)
    word_table = jax.random.normal(k2, (VOCAB, EMBED), dtype=jnp.float32)
    pos_table = jax.random.normal(k3, (MAX_LEN, EMBED), dtype=jnp.float32)
    return {"x": x, "word_table": word_table, "pos_table": pos_table}

def reference(x, word_table, pos_table):
    batch_size, seq_length = x.shape
    positions = jnp.broadcast_to(jnp.arange(seq_length), (batch_size, seq_length))
    word_emb = jnp.take(word_table, x, axis=0)
    pos_emb = jnp.take(pos_table, positions, axis=0)
    embedding = word_emb + pos_emb
    # dropout is identity in eval mode
    return embedding

if __name__ == "__main__":
    import jax
    _d = setup_inputs()
    print(jax.jit(kernel)(*tuple(_d.values())))

</pallas_src>

<mosaic_0001>
#map = affine_map<(d0, d1) -> (0, 0)>
module attributes {stable_mosaic.version = 14 : i64} {
  func.func @_body(%arg0: i32, %arg1: i32, %arg2: memref<6400x128xi32, #tpu.memory_space<hbm>>, %arg3: memref<100000x128xf32, #tpu.memory_space<hbm>>, %arg4: memref<200x128xf32, #tpu.memory_space<hbm>>, %arg5: memref<819200x64xf32, #tpu.memory_space<hbm>>, %arg6: memref<200x128xi32, #tpu.memory_space<vmem>>, %arg7: memref<200x128xf32, #tpu.memory_space<vmem>>, %arg8: memref<128x128xf32, #tpu.memory_space<vmem>>, %arg9: memref<128x128xf32, #tpu.memory_space<vmem>>, %arg10: memref<128x64xf32, #tpu.memory_space<vmem>>, %arg11: memref<128x64xf32, #tpu.memory_space<vmem>>, %arg12: memref<!tpu.dma_semaphore, #tpu.memory_space<semaphore_mem>>, %arg13: memref<!tpu.dma_semaphore, #tpu.memory_space<semaphore_mem>>, %arg14: memref<!tpu.dma_semaphore, #tpu.memory_space<semaphore_mem>>, %arg15: memref<!tpu.dma_semaphore, #tpu.memory_space<semaphore_mem>>) attributes {dimension_semantics = [#tpu.dimension_semantics<core_parallel>, #tpu.dimension_semantics<subcore_parallel>], iteration_bounds = array<i64: 2, 16>, scalar_prefetch = 0 : i64, scratch_operands = 10 : i64, tpu.core_type = #tpu.core_type<sc_vector_subcore>, window_params = [{transform_indices = #map}, {transform_indices = #map}, {transform_indices = #map}, {transform_indices = #map}]} {
    %mul3A = arith.constant 2 : i32
    %mul3A_0 = arith.muli %arg1, %mul3A : i32
    %add3A = arith.addi %mul3A_0, %arg0 : i32
    %mul3A_1 = arith.constant 200 : i32
    %mul3A_2 = arith.muli %add3A, %mul3A_1 : i32
    %mul3A_3 = arith.constant 25600 : i32
    %mul3A_4 = arith.muli %add3A, %mul3A_3 : i32
    "tpu.region"() ({
      %run_scoped3A = tpu.sem_alloc : memref<!tpu.dma_semaphore, #tpu.memory_space<semaphore_mem>>
      %dma_start3A_30 = arith.constant 0 : i32
      %dma_start3A_31 = tpu.memref_slice %arg2[%mul3A_2, %dma_start3A_30] : memref<6400x128xi32, #tpu.memory_space<hbm>> -> memref<200x128xi32, #tpu.memory_space<hbm>>
      %dma_start3A_32 = arith.constant 0 : i32
      %dma_start3A_33 = tpu.memref_slice %arg2[%mul3A_2, %dma_start3A_32] : memref<6400x128xi32, #tpu.memory_space<hbm>> -> memref<200x128xi32, #tpu.memory_space<hbm>>
      tpu.enqueue_dma source(%dma_start3A_33 : memref<200x128xi32, #tpu.memory_space<hbm>>) target(%arg6 : memref<200x128xi32, #tpu.memory_space<vmem>>) target_semaphore(%run_scoped3A : memref<!tpu.dma_semaphore, #tpu.memory_space<semaphore_mem>>)
      %dma_wait3A_34 = arith.constant 0 : i32
      %dma_wait3A_35 = tpu.memref_slice %arg2[%mul3A_2, %dma_wait3A_34] : memref<6400x128xi32, #tpu.memory_space<hbm>> -> memref<200x128xi32, #tpu.memory_space<hbm>>
      %dma_wait3A_36 = arith.constant 0 : i32
      %dma_wait3A_37 = tpu.memref_slice %arg2[%mul3A_2, %dma_wait3A_36] : memref<6400x128xi32, #tpu.memory_space<hbm>> -> memref<200x128xi32, #tpu.memory_space<hbm>>
      tpu.wait_dma2 semaphore(%run_scoped3A : memref<!tpu.dma_semaphore, #tpu.memory_space<semaphore_mem>>) src(%dma_wait3A_37 : memref<200x128xi32, #tpu.memory_space<hbm>>) dst(%arg6 : memref<200x128xi32, #tpu.memory_space<vmem>>)
      tpu.yield
    }) : () -> ()
    "tpu.region"() ({
      %run_scoped3A = tpu.sem_alloc : memref<!tpu.dma_semaphore, #tpu.memory_space<semaphore_mem>>
      tpu.enqueue_dma source(%arg4 : memref<200x128xf32, #tpu.memory_space<hbm>>) target(%arg7 : memref<200x128xf32, #tpu.memory_space<vmem>>) target_semaphore(%run_scoped3A : memref<!tpu.dma_semaphore, #tpu.memory_space<semaphore_mem>>)
      tpu.wait_dma2 semaphore(%run_scoped3A : memref<!tpu.dma_semaphore, #tpu.memory_space<semaphore_mem>>) src(%arg4 : memref<200x128xf32, #tpu.memory_space<hbm>>) dst(%arg7 : memref<200x128xf32, #tpu.memory_space<vmem>>)
      tpu.yield
    }) : () -> ()
    %dma_start3A = arith.constant 0 : i32
    %dma_start3A_5 = arith.constant 0 : i32
    %dma_start3A_6 = tpu.memref_slice %arg6[%dma_start3A, %dma_start3A_5] : memref<200x128xi32, #tpu.memory_space<vmem>> -> memref<1x128xi32, #tpu.memory_space<vmem>>
    %dma_start3A_7 = tpu.memref_squeeze %dma_start3A_6 : memref<1x128xi32, #tpu.memory_space<vmem>> -> memref<128xi32, #tpu.memory_space<vmem>>
    %dma_start3A_8 = arith.constant 0 : i32
    %dma_start3A_9 = arith.constant 0 : i32
    %dma_start3A_10 = tpu.memref_slice %arg3[%dma_start3A_8, %dma_start3A_9] : memref<100000x128xf32, #tpu.memory_space<hbm>> -> memref<100000x128xf32, #tpu.memory_space<hbm>>
    tpu.enqueue_indirect_dma source(%dma_start3A_10 : memref<100000x128xf32, #tpu.memory_space<hbm>>) target(%arg8 : memref<128x128xf32, #tpu.memory_space<vmem>>) offsets(%dma_start3A_7 : memref<128xi32, #tpu.memory_space<vmem>>) semaphore(%arg12 : memref<!tpu.dma_semaphore, #tpu.memory_space<semaphore_mem>>)
    %dma_start3A_11 = arith.constant 1 : i32
    %dma_start3A_12 = arith.constant 0 : i32
    %dma_start3A_13 = tpu.memref_slice %arg6[%dma_start3A_11, %dma_start3A_12] : memref<200x128xi32, #tpu.memory_space<vmem>> -> memref<1x128xi32, #tpu.memory_space<vmem>>
    %dma_start3A_14 = tpu.memref_squeeze %dma_start3A_13 : memref<1x128xi32, #tpu.memory_space<vmem>> -> memref<128xi32, #tpu.memory_space<vmem>>
    %dma_start3A_15 = arith.constant 0 : i32
    %dma_start3A_16 = arith.constant 0 : i32
    %dma_start3A_17 = tpu.memref_slice %arg3[%dma_start3A_15, %dma_start3A_16] : memref<100000x128xf32, #tpu.memory_space<hbm>> -> memref<100000x128xf32, #tpu.memory_space<hbm>>
    tpu.enqueue_indirect_dma source(%dma_start3A_17 : memref<100000x128xf32, #tpu.memory_space<hbm>>) target(%arg9 : memref<128x128xf32, #tpu.memory_space<vmem>>) offsets(%dma_start3A_14 : memref<128xi32, #tpu.memory_space<vmem>>) semaphore(%arg13 : memref<!tpu.dma_semaphore, #tpu.memory_space<semaphore_mem>>)
    %scan3A = arith.constant 0 : i32
    %scan3A_18 = arith.constant 0 : i32
    %scan3A_19 = arith.constant 100 : i32
    %scan3A_20 = arith.addi %scan3A_18, %scan3A_19 : i32
    %scan3A_21 = arith.constant 1 : i32
    scf.for %scan3A_30 = %scan3A_18 to %scan3A_20 step %scan3A_21  : i32 {
      %mul3A_31 = arith.constant 2 : i32
      %mul3A_32 = arith.muli %scan3A_30, %mul3A_31 : i32
      %add3A_33 = arith.constant 0 : i32
      %add3A_34 = arith.addi %mul3A_32, %add3A_33 : i32
      %dma_wait3A_35 = arith.constant 0 : i32
      %dma_wait3A_36 = arith.constant 0 : i32
      %dma_wait3A_37 = tpu.memref_slice %arg6[%dma_wait3A_35, %dma_wait3A_36] : memref<200x128xi32, #tpu.memory_space<vmem>> -> memref<1x128xi32, #tpu.memory_space<vmem>>
      %dma_wait3A_38 = tpu.memref_squeeze %dma_wait3A_37 : memref<1x128xi32, #tpu.memory_space<vmem>> -> memref<128xi32, #tpu.memory_space<vmem>>
      %dma_wait3A_39 = arith.constant 0 : i32
      %dma_wait3A_40 = arith.constant 0 : i32
      %dma_wait3A_41 = tpu.memref_slice %arg3[%dma_wait3A_39, %dma_wait3A_40] : memref<100000x128xf32, #tpu.memory_space<hbm>> -> memref<100000x128xf32, #tpu.memory_space<hbm>>
      tpu.wait_indirect_dma semaphore(%arg12 : memref<!tpu.dma_semaphore, #tpu.memory_space<semaphore_mem>>) src(%dma_wait3A_41 : memref<100000x128xf32, #tpu.memory_space<hbm>>) dst(%arg8 : memref<128x128xf32, #tpu.memory_space<vmem>>)
      %gt3A = arith.constant 0 : i32
      %gt3A_42 = arith.cmpi sgt, %scan3A_30, %gt3A : i32
      %convert_element_type3A = arith.extui %gt3A_42 : i1 to i32
      %cond3A = arith.constant 0 : i32
      %cond3A_43 = arith.cmpi ne, %convert_element_type3A, %cond3A : i32
      scf.if %cond3A_43 {
        %dma_wait3A_201 = arith.constant 0 : i32
        %dma_wait3A_202 = tpu.memref_slice %arg5[%mul3A_4, %dma_wait3A_201] : memref<819200x64xf32, #tpu.memory_space<hbm>> -> memref<128x64xf32, #tpu.memory_space<hbm>>
        %dma_wait3A_203 = arith.constant 0 : i32
        %dma_wait3A_204 = tpu.memref_slice %arg5[%mul3A_4, %dma_wait3A_203] : memref<819200x64xf32, #tpu.memory_space<hbm>> -> memref<128x64xf32, #tpu.memory_space<hbm>>
        tpu.wait_dma2 semaphore(%arg14 : memref<!tpu.dma_semaphore, #tpu.memory_space<semaphore_mem>>) src(%arg10 : memref<128x64xf32, #tpu.memory_space<vmem>>) dst(%dma_wait3A_204 : memref<128x64xf32, #tpu.memory_space<hbm>>)
      } else {
      }
      %mul3A_44 = arith.constant 128 : i32
      %mul3A_45 = arith.muli %add3A_34, %mul3A_44 : i32
      %rem3A = arith.constant 200 : i32
      %rem3A_46 = arith.remsi %mul3A_45, %rem3A : i32
      %scan3A_47 = arith.constant 0 : i32
      %scan3A_48 = arith.constant 0 : i32
      %add3A_49 = arith.addi %rem3A_46, %scan3A_48 : i32
      %shift_right_logical3A = arith.constant 1 : i32
      %shift_right_logical3A_50 = arith.shrui %add3A_49, %shift_right_logical3A : i32
      %and3A = arith.constant 1 : i32
      %and3A_51 = arith.andi %add3A_49, %and3A : i32
      %shift_left3A = arith.constant 6 : i32
      %shift_left3A_52 = arith.shli %and3A_51, %shift_left3A : i32
      %get3A = arith.index_cast %scan3A_48 : i32 to index
      %get3A_53 = arith.constant 0 : index
      %get3A_54 = tpu.vector_load %arg8[%get3A, %get3A_53] {strides = array<i32>} : memref<128x128xf32, #tpu.memory_space<vmem>>, vector<16xf32>,
      %add3A_55 = arith.constant 0 : i32
      %add3A_56 = arith.addi %shift_left3A_52, %add3A_55 : i32
      %get3A_57 = arith.index_cast %shift_right_logical3A_50 : i32 to index
      %get3A_58 = arith.index_cast %add3A_56 : i32 to index
      %get3A_59 = tpu.vector_load %arg7[%get3A_57, %get3A_58] {strides = array<i32>} : memref<200x128xf32, #tpu.memory_space<vmem>>, vector<16xf32>,
      %add3A_60 = arith.addf %get3A_54, %get3A_59 : vector<16xf32>
      %swap3A = arith.index_cast %scan3A_48 : i32 to index
      %swap3A_61 = arith.constant 0 : index
      %swap3A_62 = tpu.vector_load %arg10[%swap3A, %swap3A_61] {strides = array<i32>} : memref<128x64xf32, #tpu.memory_space<vmem>>, vector<16xf32>,
      tpu.vector_store %arg10[%swap3A, %swap3A_61], %add3A_60 {strides = array<i32>} : memref<128x64xf32, #tpu.memory_space<vmem>>, vector<16xf32>,
      %get3A_63 = arith.index_cast %scan3A_48 : i32 to index
      %get3A_64 = arith.constant 16 : index
      %get3A_65 = tpu.vector_load %arg8[%get3A_63, %get3A_64] {strides = array<i32>} : memref<128x128xf32, #tpu.memory_space<vmem>>, vector<16xf32>,
      %add3A_66 = arith.constant 16 : i32
      %add3A_67 = arith.addi %shift_left3A_52, %add3A_66 : i32
      %get3A_68 = arith.index_cast %shift_right_logical3A_50 : i32 to index
      %get3A_69 = arith.index_cast %add3A_67 : i32 to index
      %get3A_70 = tpu.vector_load %arg7[%get3A_68, %get3A_69] {strides = array<i32>} : memref<200x128xf32, #tpu.memory_space<vmem>>, vector<16xf32>,
      %add3A_71 = arith.addf %get3A_65, %get3A_70 : vector<16xf32>
      %swap3A_72 = arith.index_cast %scan3A_48 : i32 to index
      %swap3A_73 = arith.constant 16 : index
      %swap3A_74 = tpu.vector_load %arg10[%swap3A_72, %swap3A_73] {strides = array<i32>} : memref<128x64xf32, #tpu.memory_space<vmem>>, vector<16xf32>,
      tpu.vector_store %arg10[%swap3A_72, %swap3A_73], %add3A_71 {strides = array<i32>} : memref<128x64xf32, #tpu.memory_space<vmem>>, vector<16xf32>,
      %get3A_75 = arith.index_cast %scan3A_48 : i32 to index
      %get3A_76 = arith.constant 32 : index
      %get3A_77 = tpu.vector_load %arg8[%get3A_75, %get3A_76] {strides = array<i32>} : memref<128x128xf32, #tpu.memory_space<vmem>>, vector<16xf32>,
      %add3A_78 = arith.constant 32 : i32
      %add3A_79 = arith.addi %shift_left3A_52, %add3A_78 : i32
      %get3A_80 = arith.index_cast %shift_right_logical3A_50 : i32 to index
      %get3A_81 = arith.index_cast %add3A_79 : i32 to index
      %get3A_82 = tpu.vector_load %arg7[%get3A_80, %get3A_81] {strides = array<i32>} : memref<200x128xf32, #tpu.memory_space<vmem>>, vector<16xf32>,
      %add3A_83 = arith.addf %get3A_77, %get3A_82 : vector<16xf32>
      %swap3A_84 = arith.index_cast %scan3A_48 : i32 to index
      %swap3A_85 = arith.constant 32 : index
      %swap3A_86 = tpu.vector_load %arg10[%swap3A_84, %swap3A_85] {strides = array<i32>} : memref<128x64xf32, #tpu.memory_space<vmem>>, vector<16xf32>,
      tpu.vector_store %arg10[%swap3A_84, %swap3A_85], %add3A_83 {strides = array<i32>} : memref<128x64xf32, #tpu.memory_space<vmem>>, vector<16xf32>,
      %get3A_87 = arith.index_cast %scan3A_48 : i32 to index
      %get3A_88 = arith.constant 48 : index
      %get3A_89 = tpu.vector_load %arg8[%get3A_87, %get3A_88] {strides = array<i32>} : memref<128x128xf32, #tpu.memory_space<vmem>>, vector<16xf32>,
      %add3A_90 = arith.constant 48 : i32
      %add3A_91 = arith.addi %shift_left3A_52, %add3A_90 : i32
      %get3A_92 = arith.index_cast %shift_right_logical3A_50 : i32 to index
      %get3A_93 = arith.index_cast %add3A_91 : i32 to index
      %get3A_94 = tpu.vector_load %arg7[%get3A_92, %get3A_93] {strides = array<i32>} : memref<200x128xf32, #tpu.memory_space<vmem>>, vector<16xf32>,
      %add3A_95 = arith.addf %get3A_89, %get3A_94 : vector<16xf32>
      %swap3A_96 = arith.index_cast %scan3A_48 : i32 to index
      %swap3A_97 = arith.constant 48 : index
      %swap3A_98 = tpu.vector_load %arg10[%swap3A_96, %swap3A_97] {strides = array<i32>} : memref<128x64xf32, #tpu.memory_space<vmem>>, vector<16xf32>,
      tpu.vector_store %arg10[%swap3A_96, %swap3A_97], %add3A_95 {strides = array<i32>} : memref<128x64xf32, #tpu.memory_space<vmem>>, vector<16xf32>,
      %scan3A_99 = arith.constant 1 : i32
      %mul3A_100 = arith.constant 128 : i32
      %mul3A_101 = arith.muli %add3A_34, %mul3A_100 : i32
      %add3A_102 = arith.addi %mul3A_4, %mul3A_101 : i32
      %dma_start3A_103 = arith.constant 0 : i32
      %dma_start3A_104 = tpu.memref_slice %arg5[%add3A_102, %dma_start3A_103] : memref<819200x64xf32, #tpu.memory_space<hbm>> -> memref<128x64xf32, #tpu.memory_space<hbm>>
      %dma_start3A_105 = arith.constant 0 : i32
      %dma_start3A_106 = tpu.memref_slice %arg5[%add3A_102, %dma_start3A_105] : memref<819200x64xf32, #tpu.memory_space<hbm>> -> memref<128x64xf32, #tpu.memory_space<hbm>>
      tpu.enqueue_dma source(%arg10 : memref<128x64xf32, #tpu.memory_space<vmem>>) target(%dma_start3A_106 : memref<128x64xf32, #tpu.memory_space<hbm>>) target_semaphore(%arg14 : memref<!tpu.dma_semaphore, #tpu.memory_space<semaphore_mem>>)
      %lt3A = arith.constant 99 : i32
      %lt3A_107 = arith.cmpi slt, %scan3A_30, %lt3A : i32
      %convert_element_type3A_108 = arith.extui %lt3A_107 : i1 to i32
      %cond3A_109 = arith.constant 0 : i32
      %cond3A_110 = arith.cmpi ne, %convert_element_type3A_108, %cond3A_109 : i32
      scf.if %cond3A_110 {
        %add3A_201 = arith.constant 2 : i32
        %add3A_202 = arith.addi %add3A_34, %add3A_201 : i32
        %dma_start3A_203 = arith.constant 0 : i32
        %dma_start3A_204 = tpu.memref_slice %arg6[%add3A_202, %dma_start3A_203] : memref<200x128xi32, #tpu.memory_space<vmem>> -> memref<1x128xi32, #tpu.memory_space<vmem>>
        %dma_start3A_205 = tpu.memref_squeeze %dma_start3A_204 : memref<1x128xi32, #tpu.memory_space<vmem>> -> memref<128xi32, #tpu.memory_space<vmem>>
        %dma_start3A_206 = arith.constant 0 : i32
        %dma_start3A_207 = arith.constant 0 : i32
        %dma_start3A_208 = tpu.memref_slice %arg3[%dma_start3A_206, %dma_start3A_207] : memref<100000x128xf32, #tpu.memory_space<hbm>> -> memref<100000x128xf32, #tpu.memory_space<hbm>>
        tpu.enqueue_indirect_dma source(%dma_start3A_208 : memref<100000x128xf32, #tpu.memory_space<hbm>>) target(%arg8 : memref<128x128xf32, #tpu.memory_space<vmem>>) offsets(%dma_start3A_205 : memref<128xi32, #tpu.memory_space<vmem>>) semaphore(%arg12 : memref<!tpu.dma_semaphore, #tpu.memory_space<semaphore_mem>>)
      } else {
      }
      %mul3A_111 = arith.constant 2 : i32
      %mul3A_112 = arith.muli %scan3A_30, %mul3A_111 : i32
      %add3A_113 = arith.constant 1 : i32
      %add3A_114 = arith.addi %mul3A_112, %add3A_113 : i32
      %dma_wait3A_115 = arith.constant 0 : i32
      %dma_wait3A_116 = arith.constant 0 : i32
      %dma_wait3A_117 = tpu.memref_slice %arg6[%dma_wait3A_115, %dma_wait3A_116] : memref<200x128xi32, #tpu.memory_space<vmem>> -> memref<1x128xi32, #tpu.memory_space<vmem>>
      %dma_wait3A_118 = tpu.memref_squeeze %dma_wait3A_117 : memref<1x128xi32, #tpu.memory_space<vmem>> -> memref<128xi32, #tpu.memory_space<vmem>>
      %dma_wait3A_119 = arith.constant 0 : i32
      %dma_wait3A_120 = arith.constant 0 : i32
      %dma_wait3A_121 = tpu.memref_slice %arg3[%dma_wait3A_119, %dma_wait3A_120] : memref<100000x128xf32, #tpu.memory_space<hbm>> -> memref<100000x128xf32, #tpu.memory_space<hbm>>
      tpu.wait_indirect_dma semaphore(%arg13 : memref<!tpu.dma_semaphore, #tpu.memory_space<semaphore_mem>>) src(%dma_wait3A_121 : memref<100000x128xf32, #tpu.memory_space<hbm>>) dst(%arg9 : memref<128x128xf32, #tpu.memory_space<vmem>>)
      %gt3A_122 = arith.constant 0 : i32
      %gt3A_123 = arith.cmpi sgt, %scan3A_30, %gt3A_122 : i32
      %convert_element_type3A_124 = arith.extui %gt3A_123 : i1 to i32
      %cond3A_125 = arith.constant 0 : i32
      %cond3A_126 = arith.cmpi ne, %convert_element_type3A_124, %cond3A_125 : i32
      scf.if %cond3A_126 {
        %dma_wait3A_201 = arith.constant 0 : i32
        %dma_wait3A_202 = tpu.memref_slice %arg5[%mul3A_4, %dma_wait3A_201] : memref<819200x64xf32, #tpu.memory_space<hbm>> -> memref<128x64xf32, #tpu.memory_space<hbm>>
        %dma_wait3A_203 = arith.constant 0 : i32
        %dma_wait3A_204 = tpu.memref_slice %arg5[%mul3A_4, %dma_wait3A_203] : memref<819200x64xf32, #tpu.memory_space<hbm>> -> memref<128x64xf32, #tpu.memory_space<hbm>>
        tpu.wait_dma2 semaphore(%arg15 : memref<!tpu.dma_semaphore, #tpu.memory_space<semaphore_mem>>) src(%arg11 : memref<128x64xf32, #tpu.memory_space<vmem>>) dst(%dma_wait3A_204 : memref<128x64xf32, #tpu.memory_space<hbm>>)
      } else {
      }
      %mul3A_127 = arith.constant 128 : i32
      %mul3A_128 = arith.muli %add3A_114, %mul3A_127 : i32
      %rem3A_129 = arith.constant 200 : i32
      %rem3A_130 = arith.remsi %mul3A_128, %rem3A_129 : i32
      %scan3A_131 = arith.constant 0 : i32
      %scan3A_132 = arith.constant 0 : i32
      %add3A_133 = arith.addi %rem3A_130, %scan3A_132 : i32
      %shift_right_logical3A_134 = arith.constant 1 : i32
      %shift_right_logical3A_135 = arith.shrui %add3A_133, %shift_right_logical3A_134 : i32
      %and3A_136 = arith.constant 1 : i32
      %and3A_137 = arith.andi %add3A_133, %and3A_136 : i32
      %shift_left3A_138 = arith.constant 6 : i32
      %shift_left3A_139 = arith.shli %and3A_137, %shift_left3A_138 : i32
      %get3A_140 = arith.index_cast %scan3A_132 : i32 to index
      %get3A_141 = arith.constant 0 : index
      %get3A_142 = tpu.vector_load %arg9[%get3A_140, %get3A_141] {strides = array<i32>} : memref<128x128xf32, #tpu.memory_space<vmem>>, vector<16xf32>,
      %add3A_143 = arith.constant 0 : i32
      %add3A_144 = arith.addi %shift_left3A_139, %add3A_143 : i32
      %get3A_145 = arith.index_cast %shift_right_logical3A_135 : i32 to index
      %get3A_146 = arith.index_cast %add3A_144 : i32 to index
      %get3A_147 = tpu.vector_load %arg7[%get3A_145, %get3A_146] {strides = array<i32>} : memref<200x128xf32, #tpu.memory_space<vmem>>, vector<16xf32>,
      %add3A_148 = arith.addf %get3A_142, %get3A_147 : vector<16xf32>
      %swap3A_149 = arith.index_cast %scan3A_132 : i32 to index
      %swap3A_150 = arith.constant 0 : index
      %swap3A_151 = tpu.vector_load %arg11[%swap3A_149, %swap3A_150] {strides = array<i32>} : memref<128x64xf32, #tpu.memory_space<vmem>>, vector<16xf32>,
      tpu.vector_store %arg11[%swap3A_149, %swap3A_150], %add3A_148 {strides = array<i32>} : memref<128x64xf32, #tpu.memory_space<vmem>>, vector<16xf32>,
      %get3A_152 = arith.index_cast %scan3A_132 : i32 to index
      %get3A_153 = arith.constant 16 : index
      %get3A_154 = tpu.vector_load %arg9[%get3A_152, %get3A_153] {strides = array<i32>} : memref<128x128xf32, #tpu.memory_space<vmem>>, vector<16xf32>,
      %add3A_155 = arith.constant 16 : i32
      %add3A_156 = arith.addi %shift_left3A_139, %add3A_155 : i32
      %get3A_157 = arith.index_cast %shift_right_logical3A_135 : i32 to index
      %get3A_158 = arith.index_cast %add3A_156 : i32 to index
      %get3A_159 = tpu.vector_load %arg7[%get3A_157, %get3A_158] {strides = array<i32>} : memref<200x128xf32, #tpu.memory_space<vmem>>, vector<16xf32>,
      %add3A_160 = arith.addf %get3A_154, %get3A_159 : vector<16xf32>
      %swap3A_161 = arith.index_cast %scan3A_132 : i32 to index
      %swap3A_162 = arith.constant 16 : index
      %swap3A_163 = tpu.vector_load %arg11[%swap3A_161, %swap3A_162] {strides = array<i32>} : memref<128x64xf32, #tpu.memory_space<vmem>>, vector<16xf32>,
      tpu.vector_store %arg11[%swap3A_161, %swap3A_162], %add3A_160 {strides = array<i32>} : memref<128x64xf32, #tpu.memory_space<vmem>>, vector<16xf32>,
      %get3A_164 = arith.index_cast %scan3A_132 : i32 to index
      %get3A_165 = arith.constant 32 : index
      %get3A_166 = tpu.vector_load %arg9[%get3A_164, %get3A_165] {strides = array<i32>} : memref<128x128xf32, #tpu.memory_space<vmem>>, vector<16xf32>,
      %add3A_167 = arith.constant 32 : i32
      %add3A_168 = arith.addi %shift_left3A_139, %add3A_167 : i32
      %get3A_169 = arith.index_cast %shift_right_logical3A_135 : i32 to index
      %get3A_170 = arith.index_cast %add3A_168 : i32 to index
      %get3A_171 = tpu.vector_load %arg7[%get3A_169, %get3A_170] {strides = array<i32>} : memref<200x128xf32, #tpu.memory_space<vmem>>, vector<16xf32>,
      %add3A_172 = arith.addf %get3A_166, %get3A_171 : vector<16xf32>
      %swap3A_173 = arith.index_cast %scan3A_132 : i32 to index
      %swap3A_174 = arith.constant 32 : index
      %swap3A_175 = tpu.vector_load %arg11[%swap3A_173, %swap3A_174] {strides = array<i32>} : memref<128x64xf32, #tpu.memory_space<vmem>>, vector<16xf32>,
      tpu.vector_store %arg11[%swap3A_173, %swap3A_174], %add3A_172 {strides = array<i32>} : memref<128x64xf32, #tpu.memory_space<vmem>>, vector<16xf32>,
      %get3A_176 = arith.index_cast %scan3A_132 : i32 to index
      %get3A_177 = arith.constant 48 : index
      %get3A_178 = tpu.vector_load %arg9[%get3A_176, %get3A_177] {strides = array<i32>} : memref<128x128xf32, #tpu.memory_space<vmem>>, vector<16xf32>,
      %add3A_179 = arith.constant 48 : i32
      %add3A_180 = arith.addi %shift_left3A_139, %add3A_179 : i32
      %get3A_181 = arith.index_cast %shift_right_logical3A_135 : i32 to index
      %get3A_182 = arith.index_cast %add3A_180 : i32 to index
      %get3A_183 = tpu.vector_load %arg7[%get3A_181, %get3A_182] {strides = array<i32>} : memref<200x128xf32, #tpu.memory_space<vmem>>, vector<16xf32>,
      %add3A_184 = arith.addf %get3A_178, %get3A_183 : vector<16xf32>
      %swap3A_185 = arith.index_cast %scan3A_132 : i32 to index
      %swap3A_186 = arith.constant 48 : index
      %swap3A_187 = tpu.vector_load %arg11[%swap3A_185, %swap3A_186] {strides = array<i32>} : memref<128x64xf32, #tpu.memory_space<vmem>>, vector<16xf32>,
      tpu.vector_store %arg11[%swap3A_185, %swap3A_186], %add3A_184 {strides = array<i32>} : memref<128x64xf32, #tpu.memory_space<vmem>>, vector<16xf32>,
      %scan3A_188 = arith.constant 1 : i32
      %mul3A_189 = arith.constant 128 : i32
      %mul3A_190 = arith.muli %add3A_114, %mul3A_189 : i32
      %add3A_191 = arith.addi %mul3A_4, %mul3A_190 : i32
      %dma_start3A_192 = arith.constant 0 : i32
      %dma_start3A_193 = tpu.memref_slice %arg5[%add3A_191, %dma_start3A_192] : memref<819200x64xf32, #tpu.memory_space<hbm>> -> memref<128x64xf32, #tpu.memory_space<hbm>>
      %dma_start3A_194 = arith.constant 0 : i32
      %dma_start3A_195 = tpu.memref_slice %arg5[%add3A_191, %dma_start3A_194] : memref<819200x64xf32, #tpu.memory_space<hbm>> -> memref<128x64xf32, #tpu.memory_space<hbm>>
      tpu.enqueue_dma source(%arg11 : memref<128x64xf32, #tpu.memory_space<vmem>>) target(%dma_start3A_195 : memref<128x64xf32, #tpu.memory_space<hbm>>) target_semaphore(%arg15 : memref<!tpu.dma_semaphore, #tpu.memory_space<semaphore_mem>>)
      %lt3A_196 = arith.constant 99 : i32
      %lt3A_197 = arith.cmpi slt, %scan3A_30, %lt3A_196 : i32
      %convert_element_type3A_198 = arith.extui %lt3A_197 : i1 to i32
      %cond3A_199 = arith.constant 0 : i32
      %cond3A_200 = arith.cmpi ne, %convert_element_type3A_198, %cond3A_199 : i32
      scf.if %cond3A_200 {
        %add3A_201 = arith.constant 2 : i32
        %add3A_202 = arith.addi %add3A_114, %add3A_201 : i32
        %dma_start3A_203 = arith.constant 0 : i32
        %dma_start3A_204 = tpu.memref_slice %arg6[%add3A_202, %dma_start3A_203] : memref<200x128xi32, #tpu.memory_space<vmem>> -> memref<1x128xi32, #tpu.memory_space<vmem>>
        %dma_start3A_205 = tpu.memref_squeeze %dma_start3A_204 : memref<1x128xi32, #tpu.memory_space<vmem>> -> memref<128xi32, #tpu.memory_space<vmem>>
        %dma_start3A_206 = arith.constant 0 : i32
        %dma_start3A_207 = arith.constant 0 : i32
        %dma_start3A_208 = tpu.memref_slice %arg3[%dma_start3A_206, %dma_start3A_207] : memref<100000x128xf32, #tpu.memory_space<hbm>> -> memref<100000x128xf32, #tpu.memory_space<hbm>>
        tpu.enqueue_indirect_dma source(%dma_start3A_208 : memref<100000x128xf32, #tpu.memory_space<hbm>>) target(%arg9 : memref<128x128xf32, #tpu.memory_space<vmem>>) offsets(%dma_start3A_205 : memref<128xi32, #tpu.memory_space<vmem>>) semaphore(%arg13 : memref<!tpu.dma_semaphore, #tpu.memory_space<semaphore_mem>>)
      } else {
      }
    }
    %scan3A_22 = arith.constant 100 : i32
    %dma_wait3A = arith.constant 0 : i32
    %dma_wait3A_23 = tpu.memref_slice %arg5[%mul3A_4, %dma_wait3A] : memref<819200x64xf32, #tpu.memory_space<hbm>> -> memref<128x64xf32, #tpu.memory_space<hbm>>
    %dma_wait3A_24 = arith.constant 0 : i32
    %dma_wait3A_25 = tpu.memref_slice %arg5[%mul3A_4, %dma_wait3A_24] : memref<819200x64xf32, #tpu.memory_space<hbm>> -> memref<128x64xf32, #tpu.memory_space<hbm>>
    tpu.wait_dma2 semaphore(%arg14 : memref<!tpu.dma_semaphore, #tpu.memory_space<semaphore_mem>>) src(%arg10 : memref<128x64xf32, #tpu.memory_space<vmem>>) dst(%dma_wait3A_25 : memref<128x64xf32, #tpu.memory_space<hbm>>)
    %dma_wait3A_26 = arith.constant 0 : i32
    %dma_wait3A_27 = tpu.memref_slice %arg5[%mul3A_4, %dma_wait3A_26] : memref<819200x64xf32, #tpu.memory_space<hbm>> -> memref<128x64xf32, #tpu.memory_space<hbm>>
    %dma_wait3A_28 = arith.constant 0 : i32
    %dma_wait3A_29 = tpu.memref_slice %arg5[%mul3A_4, %dma_wait3A_28] : memref<819200x64xf32, #tpu.memory_space<hbm>> -> memref<128x64xf32, #tpu.memory_space<hbm>>
    tpu.wait_dma2 semaphore(%arg15 : memref<!tpu.dma_semaphore, #tpu.memory_space<semaphore_mem>>) src(%arg11 : memref<128x64xf32, #tpu.memory_space<vmem>>) dst(%dma_wait3A_29 : memref<128x64xf32, #tpu.memory_space<hbm>>)
    return
  }
}

</mosaic_0001>

<sc_bundles>
// kernel: _emb.3.cloned.1.call-start
scs
__scs_entry_jumppad:
0x0: {  	(pc) =	sbr.rel $0x88, $3  }
0x1: {  	(tag) =	ssettag $0x0;
	lr =	simm.s32 $0x1  }
0x2: {  	[smem:$0x3F9E] =	sst lr;
	_ =	strace $0xD0000000  }
0x3: {  	_ = 	snop  }
0x4: {  	_ = 	snop  }
0x5: {  	_ = 	snop  }
0x6: {  	_ = 	snop  }
0x7: {  	_ = 	snop  }
__scs_overlays_trampoline_lowered:
0x8: {  	[smem:$0x3FAD] =	sst s0  }
0x9: {  	[smem:$0x3FAE] =	sst s1  }
0xa: {  	[smem:$0x3FAF] =	sst s2  }
0xb: {  	[smem:$0x3FB0] =	sst s3  }
0xc: {  	[smem:$0x3FB1] =	sst s4  }
0xd: {  	[smem:$0x3FB2] =	sst s5  }
0xe: {  	[smem:$0x3FB3] =	sst s6  }
0xf: {  	[smem:$0x3FB4] =	sst s7  }
0x10: {  	[smem:$0x3FB5] =	sst s8  }
0x11: {  	[smem:$0x3FB6] =	sst s9;
	s0 =	simm.s32 @!p0 $0x0  }
0x12: {  	s1 =	sld [smem:$0x3F9C];
	s0 =	simm.s32 @p0 $0x1  }
0x13: {  	[smem:$0x3FB7] =	sst s0;
	s0 =	simm.s32 @!p1 $0x0  }
0x14: {  	s2 =	sld [smem:$0x3F9B];
	s0 =	simm.s32 @p1 $0x1  }
0x15: {  	[smem:$0x3FB8] =	sst s0;
	s0 =	simm.s32 @!p2 $0x0  }
0x16: {  	s3 =	sld [smem:$0x3FDB];
	s0 =	simm.s32 @p2 $0x1  }
0x17: {  	s4 =	simm.s32 $0x1BF5;
	[smem:$0x3FBA] =	sst s0  }
0x18: {  	s0 =	sld [smem:$0x3F9D];
	_ =	swait.ge [sflag:s4], $0x0  }
0x19: {  	s7 =	sld [smem:$0x3F9E]  }
0x1a: {  	s8 =	sadd.s32 $0xFFFFE003, lr  }
0x1b: {  	s9 =	sadd.s32 $0xFFFFFEF7, lr;
	s5 =	simm.s32 $0xFFFFFFFF;
	p2 =	slt.u32 s8, $0xFFFFF086  }
0x1c: {  	p1 =	slt.u32 s9, $0xF7A;
	s5 =	simm.s32 @!p2 $0x0  }
0x1d: {  	s5 =	simm.s32 @p1 $0x1;
	p0 =	seq.s32 s7, s2  }
0x1e: {  	s7 =	smul.u32 @!p0 $0xF7A, s2;
	p2 =	seq.s32 @!p0 s5, $0x0  }
0x1f: {  	s9 =	smul.u32 $0xF7A, s1;
	s8 =	simm.s32 @!p0 $0x1BF5;
	p2 =	por !p2, p0  }
0x20: {  	[sflag:s8] =	ssyncset.s32 @!p0 $0xFFFFF086;
	s6 =	sadd.s32 @!p0 s3, s7;
	s7 =	simm.s32 @!p0 $0x108  }
0x21: {  	s3 =	sadd.s32 s3, s9;
	s6 =	sadd.s32 @!p0 $0x88, s6;
	s7 =	simm.s32 @p2 $0x1082  }
0x22: {  	[simem:s7], [sflag:s8] =	dma.local @!p0 [hbm:s6], $0xF7A  }
0x23: {  	s9 =	sor.u32 $0xD0000000, s2;
	s6 =	simm.s32 $0x108;
	_ =	swait.ge @!p0 [sflag:s8], $0x0  }
0x24: {  	s3 =	sadd.s32 $0x88, s3;
	s6 =	simm.s32 @!p1 $0x1082;
	[sflag:s4] =	ssyncset.s32 $0xFFFFF086  }
0x25: {  	[simem:s6], [sflag:s4] =	dma.local [hbm:s3], $0xF7A  }
0x26: {  	[smem:$0x3F9E] =	sst s1;
	(tag) =	ssettag s2;
	_ =	strace s9  }
0x27: {  	s1 =	sld [smem:$0x3FAE]  }
0x28: {  	s2 =	sld [smem:$0x3FAF]  }
0x29: {  	s4 =	sld [smem:$0x3FB1]  }
0x2a: {  	p0 =	seq.s32 s5, $0x0;
	s5 =	sld [smem:$0x3FB2]  }
0x2b: {  	s6 =	sld [smem:$0x3FB3]  }
0x2c: {  	s7 =	sld [smem:$0x3FB4]  }
0x2d: {  	s3 =	simm.s32 $0x108;
	s8 =	sld [smem:$0x3FB5]  }
0x2e: {  	s3 =	simm.s32 @!p0 $0x1082;
	s9 =	sld [smem:$0x3FB6]  }
0x2f: {  	lr =	sadd.s32 s0, s3;
	s0 =	sld [smem:$0x3FAD]  }
0x30: {  	s3 =	sld [smem:$0x3FB0]  }
0x31: {  	[smem:$0x3FB9] =	sst s10  }
0x32: {  	s10 =	sld [smem:$0x3FB7];
	_ =	sdelay $0x3  }
0x33: {  	p0 =	seq.s32 s10, $0x1;
	s10 =	sld [smem:$0x3FB9];
	_ =	sdelay $0x3  }
0x34: {  	[smem:$0x3FB9] =	sst s10  }
0x35: {  	s10 =	sld [smem:$0x3FB8];
	_ =	sdelay $0x3  }
0x36: {  	p1 =	seq.s32 s10, $0x1;
	s10 =	sld [smem:$0x3FB9];
	_ =	sdelay $0x3  }
0x37: {  	[smem:$0x3FB9] =	sst s10  }
0x38: {  	s10 =	sld [smem:$0x3FBA]  }
0x39: {  	_ = 	snop;
	(pc) =	sbr.ind lr, $3  }
0x3a: {  	_ = 	snop  }
0x3b: {  	_ = 	snop  }
0x3c: {  	p2 =	seq.s32 s10, $0x1;
	s10 =	sld [smem:$0x3FB9]  }
0x3d: {  	_ =	shalt  }
0x3e: {  	_ =	shalt  }
0x3f: {  	_ =	shalt  }
0x40: {  	_ =	shalt  }
0x41: {  	_ =	shalt  }
0x42: {  	_ =	shalt  }
0x43: {  	_ =	shalt  }
0x44: {  	_ =	shalt  }
0x45: {  	_ =	shalt  }
0x46: {  	_ =	shalt  }
0x47: {  	_ =	shalt  }
0x48: {  	_ =	shalt  }
0x49: {  	_ =	shalt  }
0x4a: {  	_ =	shalt  }
0x4b: {  	_ =	shalt  }
0x4c: {  	_ =	shalt  }
0x4d: {  	_ =	shalt  }
0x4e: {  	_ =	shalt  }
0x4f: {  	_ =	shalt  }
0x50: {  	_ =	shalt  }
0x51: {  	_ =	shalt  }
0x52: {  	_ =	shalt  }
0x53: {  	_ =	shalt  }
0x54: {  	_ =	shalt  }
0x55: {  	_ =	shalt  }
0x56: {  	_ =	shalt  }
0x57: {  	_ =	shalt  }
0x58: {  	_ =	shalt  }
0x59: {  	_ =	shalt  }
0x5a: {  	_ =	shalt  }
0x5b: {  	_ =	shalt  }
0x5c: {  	_ =	shalt  }
0x5d: {  	_ =	shalt  }
0x5e: {  	_ =	shalt  }
0x5f: {  	_ =	shalt  }
0x60: {  	_ =	shalt  }
0x61: {  	_ =	shalt  }
0x62: {  	_ =	shalt  }
0x63: {  	_ =	shalt  }
0x64: {  	_ =	shalt  }
0x65: {  	_ =	shalt  }
0x66: {  	_ =	shalt  }
0x67: {  	_ =	shalt  }
0x68: {  	_ =	shalt  }
0x69: {  	_ =	shalt  }
0x6a: {  	_ =	shalt  }
0x6b: {  	_ =	shalt  }
0x6c: {  	_ =	shalt  }
0x6d: {  	_ =	shalt  }
0x6e: {  	_ =	shalt  }
0x6f: {  	_ =	shalt  }
0x70: {  	_ =	shalt  }
0x71: {  	_ =	shalt  }
0x72: {  	_ =	shalt  }
0x73: {  	_ =	shalt  }
0x74: {  	_ =	shalt  }
0x75: {  	_ =	shalt  }
0x76: {  	_ =	shalt  }
0x77: {  	_ =	shalt  }
0x78: {  	_ =	shalt  }
0x79: {  	_ =	shalt  }
0x7a: {  	_ =	shalt  }
0x7b: {  	_ =	shalt  }
0x7c: {  	_ =	shalt  }
0x7d: {  	_ =	shalt  }
0x7e: {  	_ =	shalt  }
0x7f: {  	_ =	shalt  }
0x80: {  	_ =	shalt  }
0x81: {  	_ =	shalt  }
0x82: {  	_ =	shalt  }
0x83: {  	_ =	shalt  }
0x84: {  	_ =	shalt  }
0x85: {  	_ =	shalt  }
0x86: {  	_ =	shalt  }
0x87: {  	_ =	shalt  }
.Lfunc_end0:
.L_simem_size_0:
called_computation_lowered:
.L_overlay_start_0:
0x88: {  	s2 =	sld [smem:$0x3FD9]  }
0x89: {  	s3 =	sld [smem:$0x3FFE];
	_ =	sdelay $0x1  }
0x8a: {  	s1 =	srdreg.scid  }
0x8b: {  	s0 =	sand.u32 $0x1, s1  }
0x8c: {  	s17 =	sshll.u32 s0, $0xA;
	s2 =	sadd.s32 s3, s2  }
0x8d: {  	s2 =	sadd.s32 s2, s17  }
0x8e: {  	[smem:$0x3FC5] =	sst s2  }
0x8f: {  	_ = 	snop  }
0x90: {  	s2 =	sld [smem:$0x3FC9]  }
0x91: {  	s18 =	sld [smem:$0x3FC8]  }
0x92: {  	s4 =	sld [smem:$0x3FC7];
	(tm) =	ssettm $0x1  }
0x93: {  	s5 =	sld [smem:$0x3FFB];
	_ =	sdelay $0x3  }
0x94: {  	_ =	strace s5  }
0x95: {  	s5 =	sld [smem:$0x3FFC];
	_ =	sdelay $0x3  }
0x96: {  	_ =	strace s5  }
0x97: {  	s5 =	sld [smem:$0x3FFD];
	_ =	sdelay $0x3  }
0x98: {  	_ =	strace s5  }
0x99: {  	_ =	strace $0x8FFFFFFF  }
0x9a: {  	s19 =	sld [smem:$0x3FDB];
	_ =	sdelay $0x1  }
0x9b: {  	s6 =	simm.s32 $_scs_section_size  }
0x9c: {  	s7 =	simm.s32 $_size__tile_overlayer_lowered;
	s8 =	simm.s32 $_tile_overlayer_lowered  }
0x9d: {  	s22 =	simm.s32 $0x1BFF;
	s21 =	sshll.u32 s8, $0x1;
	s5 =	sadd.s32 s6, s19  }
0x9e: {  	s9 =	simm.s32 $0x0;
	s20 =	sshll.u32 s7, $0x1;
	s7 =	sadd.s32 s21, s5  }
0x9f: {  	[timem:s9], [sflag:s22] =	dma.local [hbm:s7], s20  }
0xa0: {  	_ =	swait.ge [sflag:s22], s20  }
0xa1: {  	s6 =	ssub.s32 $0x0, s20;
	[sflag:s22] =	ssyncset.done $0x0  }
0xa2: {  	[sflag:s22] =	ssyncadd.s32 s6;
	_ =	sdelay $0x1  }
0xa3: {  	s23 =	simm.s32 $0x1B8B  }
0xa4: {  	_ =	swait.ge [sflag:s23], $0x1  }
0xa5: {  	[sflag:s23] =	ssyncset.done $0x0  }
0xa6: {  	s25 =	simm.s32 $0x1B8E;
	s24 =	sld [smem:$0x3FFE];
	[sflag:s23] =	ssyncadd.s32 $0xFFFFFFFF  }
0xa7: {  	s26 =	simm.s32 $execute0_lowered;
	[smem:$0x3FD2] =	sst s25  }
0xa8: {  	s7 =	sshll.u32 s26, $0x1;
	_ =	strace $0x80000046;
	[dreg:$0x1] =	wrdreg $0xFFFFFFFF  }
0xa9: {  	s28 =	simm.s32 $_size_execute0_lowered;
	s5 =	sadd.s32 s5, s7;
	[dreg:$0x0] =	wrdreg $0x0  }
0xaa: {  	s7 =	sshll.u32 s28, $0x1;
	[dreg:$0x2] =	wrdreg s5  }
0xab: {  	[dreg:$0x3] =	wrdreg s7  }
0xac: {  	[dreg:$0x4] =	wrdreg $0xC0  }
0xad: {  	_ =	task [dreg:s9], $0x5FFFF  }
0xae: {  	[dreg:$0x1] =	wrdreg $0xFFFFFFFF  }
0xaf: {  	[dreg:$0x0] =	wrdreg $0x60  }
0xb0: {  	[dreg:$0x2] =	wrdreg s2  }
0xb1: {  	[dreg:$0x3] =	wrdreg s18  }
0xb2: {  	[dreg:$0x4] =	wrdreg s4  }
0xb3: {  	[dreg:$0x5] =	wrdreg s24  }
0xb4: {  	[dreg:$0x6] =	wrdreg $0x9  }
0xb5: {  	_ =	task.clear_ibuf [dreg:s9], $0x7FFFF;
	_ =	strace $0x90000046  }
0xb6: {  	s29 =	simm.s32 $0x9;
	_ =	strace $0x80000048  }
0xb7: {  	_ =	swait.ge [sflag:s29], $0x1  }
0xb8: {  	[sflag:s29] =	ssyncadd.s32 $0xFFFFFFFF  }
0xb9: {  	_ =	strace $0x90000048  }
0xba: {  	_ =	sfence  }
0xbb: {  	s30 =	sld [smem:$0x0];
	_ =	sdelay $0x2  }
0xbc: {  	s31 =	sshll.u32 s1, $0xD;
	s1 =	sshrl.u32 s1, $0x2  }
0xbd: {  	s3 =	sand.u32 $0x4000, s31;
	s1 =	sadd.s32 s1, s30  }
0xbe: {  	s0 =	sor.u32 s3, s0;
	s1 =	sshll.u32 s1, $0x11  }
0xbf: {  	s0 =	sor.u32 s1, s0  }
0xc0: {  	s0 =	sadd.s32 $0x8F2B, s0  }
0xc1: {  	[sflag:s0] =	ssyncadd.remote.s32 $0x1  }
0xc2: {  	_ =	sfence.sel $0xFFFF  }
0xc3: {  	[dreg:$0x0] =	wrdreg $0xFFFFFFFF;
	(pc) =	sbr.abs _section_cstart, $3  }
0xc4: {  	[dreg:$0x1] =	wrdreg $0xFFFFFFFF  }
0xc5: {  	_ =	task.clear_ibuf [dreg:s9], $0x2FFFF;
	_ =	strace $0x9FFFFFFF  }
0xc6: {  	(tm) =	ssettm $0x7FFFFFFF  }
0xc7: {  	_ =	shalt  }
tec
execute0_lowered:
.L_overlay_start_1:
0x0: {  	(tag) =	ssettag $0x1  }
0x1: {  	s5 =	rddreg [dreg:$0x0]  }
0x2: {  	s1 =	rddreg [dreg:$0x1]  }
0x3: {  	s2 =	rddreg [dreg:$0x2]  }
0x4: {  	s6 =	rddreg [dreg:$0x3]  }
0x5: {  	s0 =	rddreg [dreg:$0x4];
	s4 =	simm.s32 $0x0;
	s3 =	stileid.u32  }
0x6: {  	s7 =	srdreg.scid;
	s11 =	simm.s32 $0xC800;
	s12 =	simm.s32 $0x10800  }
0x7: {  	s13 =	simm.s32 $0x1;
	s14 =	simm.s32 $0x14800;
	s15 =	simm.s32 $0x2  }
0x8: {  	s16 =	simm.s32 $0x4;
	s17 =	simm.s32 $0x18800;
	s18 =	simm.s32 $0x3  }
0x9: {  	s8 =	smul.u32 $0xC8000, s3;
	s7 =	sand.u32 $0x1, s7;
	s9 =	sshll.u32 s3, $0x1  }
0xa: {  	s10 =	ssub.s32 $0x2, s7;
	s9 =	sor.u32 s7, s9;
	s7 =	smul.u32 $0x64000, s7  }
.Ltmp0:
0xb: {  	s19 =	simm.s32 $0x0;
	[smem:$0x7FF] =	sst s4;
	(pc) =	sbr.rel .LBB2_1-.Ltmp0, $4  }
0xc: {  	s6 =	sadd.s32 s8, s6;
	s31 =	sshrl.u32 s10, $0x1;
	s9 =	smul.u32 $0xC80, s9  }
0xd: {  	_ =	strace $0x80000047;
	s8 =	ssub.s32 s10, s31;
	s7 =	sadd.s32 s7, s6  }
0xe: {  	s10 =	simm.s32 $0x80;
	s5 =	sadd.s32 s5, s9;
	s6 =	smax.u32 s8, $0x1  }
0xf: {  	s7 =	sadd.s32 $0xC00, s7;
	s8 =	simm.s32 $0x5;
	s9 =	simm.s32 $0x6400  }
.LBB2_8:
0x10: {  	s19 =	sadd.s32 $0x1, s19  }
0x11: {  	_ =	swait.ge [sflag:s18], $0x4000;
	p0 =	sne.s32 s19, s6  }
.Ltmp1:
0x12: {  	[sflag:s18] =	ssyncset.done $0x0;
	(pc) =	sbr.rel @!p0 .LBB2_9-.Ltmp1, $4  }
0x13: {  	[sflag:s18] =	ssyncadd.s32 $0xFFFFC000  }
0x14: {  	_ =	swait.ge [sflag:s16], $0x4000  }
0x15: {  	[sflag:s16] =	ssyncset.done $0x0  }
0x16: {  	[sflag:s16] =	ssyncadd.s32 $0xFFFFC000  }
.LBB2_1:
0x17: {  	[tilespmem:s4], [sflag:$0x5] =	stream.linear.gather [hbm4b:s5+s4], $0x6400, $0x38;
	[tilespmem:$0x1C800] =	vst v63  }
0x18: {  	_ =	swait.ge [sflag:s8], $0x6400  }
0x19: {  	[sflag:s8] =	ssyncset.done $0x0  }
0x1a: {  	[sflag:s8] =	ssyncadd.s32 $0xFFFF9C00  }
0x1b: {  	[tilespmem:s9], [sflag:$0x5] =	stream.linear.gather [hbm4b:s2+s4], $0x6400, $0x38;
	[tilespmem:$0x1C800] =	vst v63  }
0x1c: {  	_ =	swait.ge [sflag:s8], $0x6400  }
0x1d: {  	[sflag:s8] =	ssyncset.done $0x0  }
0x1e: {  	[sflag:s8] =	ssyncadd.s32 $0xFFFF9C00  }
0x1f: {  	[tilespmem:s11], [sflag:$0x1] =	stream.indirect.gather [hbm4b:s1+s10], $0x80, s4, s10, $0xb8;
	[tilespmem:$0x1C800] =	vst v63  }
0x20: {  	s20 =	simm.s32 $0x180;
	s21 =	smov.u32 s7;
	s22 =	simm.s32 $0x0  }
0x21: {  	[tilespmem:s12], [sflag:$0x2] =	stream.indirect.gather [hbm4b:s1+s10], $0x80, s10, s10, $0xb8;
	[tilespmem:$0x1C800] =	vst v63  }
.LBB2_2:
0x22: {  	s23 =	sand.u32 $0xFFF8, s22  }
0x23: {  	s23 =	sshrl.u32 s23, $0x3  }
0x24: {  	s23 =	smul.u32 $0x147B, s23  }
0x25: {  	_ =	swait.ge [sflag:s13], $0x4000  }
0x26: {  	p0 =	seq.s32 s22, $0x0;
	[sflag:s13] =	ssyncset.done $0x0;
	s23 =	sshrl.u32 s23, $0x11  }
0x27: {  	s24 =	simm.s32 @!p0 $0x3;
	[sflag:s13] =	ssyncadd.s32 $0xFFFFC000;
	s23 =	smul.u32 $0xC8, s23  }
0x28: {  	_ =	swait.ge @!p0 [sflag:s24], $0x4000  }
0x29: {  	[sflag:s24] =	ssyncset.done @!p0 $0x0;
	s23 =	ssub.s32 s22, s23  }
0x2a: {  	[sflag:s24] =	ssyncadd.s32 @!p0 $0xFFFFC000;
	s23 =	sshll.u32 s23, $0x6  }
0x2b: {  	v0 =	vld [tilespmem:$0xC800];
	s23 =	sand.u32 $0xFFC0, s23  }
0x2c: {  	v1 =	vld [tilespmem:s23+$0x6400];
	_ =	sdelay $0x4  }
0x2d: {  	v0 =	vadd.f32 v1, v0;
	_ =	sdelay $0x1  }
0x2e: {  	v58 =	vld [tilespmem:$0xC810];
	[tilespmem:$0x14800] =	vst v0  }
0x2f: {  	v59 =	vld [tilespmem:s23+$0x6410];
	_ =	sdelay $0x4  }
0x30: {  	v0 =	vadd.f32 v59, v58;
	_ =	sdelay $0x1  }
0x31: {  	v60 =	vld [tilespmem:$0xC820];
	[tilespmem:$0x14810] =	vst v0  }
0x32: {  	v61 =	vld [tilespmem:s23+$0x6420];
	_ =	sdelay $0x4  }
0x33: {  	v0 =	vadd.f32 v61, v60;
	_ =	sdelay $0x1  }
0x34: {  	v62 =	vld [tilespmem:$0xC830];
	[tilespmem:$0x14820] =	vst v0  }
0x35: {  	v63 =	vld [tilespmem:s23+$0x6430];
	_ =	sdelay $0x2  }
0x36: {  	p1 =	sne.s32 s22, $0x6300  }
.Ltmp2:
0x37: {  	_ = 	snop;
	(pc) =	sbr.rel @p1 .LBB2_4-.Ltmp2, $3  }
0x38: {  	v0 =	vadd.f32 v63, v62;
	_ =	sdelay $0x1  }
0x39: {  	s31 =	sadd.s32 $0xFFFFF800, s21;
	[tilespmem:$0x14830] =	vst v0  }
0x3a: {  	[hbm4b:s31+s4] =	stream.linear.scatter [tilespmem:s14], [sflag:$0x3], $0x4000, $0x38;
	[tilespmem:$0x1C800] =	vst v63  }
.Ltmp3:
0x3b: {  	(pc) =	sbr.rel .LBB2_5-.Ltmp3, $4  }
0x3c: {  	_ = 	snop  }
0x3d: {  	_ =	swait.ge [sflag:s15], $0x4000  }
0x3e: {  	[sflag:s15] =	ssyncset.done $0x0  }
0x3f: {  	[sflag:s15] =	ssyncadd.s32 $0xFFFFC000  }
.LBB2_4:
.Ltmp4:
0x40: {  	s23 =	sadd.s32 $0xFFFFFF80, s20;
	(pc) =	sbr.rel @p0 .LBB2_6-.Ltmp4, $4  }
0x41: {  	[tilespmem:s11], [sflag:$0x1] =	stream.indirect.gather [hbm4b:s1+s10], $0x80, s23, s10, $0xb8;
	[tilespmem:$0x1C800] =	vst v63  }
0x42: {  	_ =	swait.ge [sflag:s15], $0x4000  }
0x43: {  	[sflag:s15] =	ssyncset.done $0x0  }
0x44: {  	[sflag:s15] =	ssyncadd.s32 $0xFFFFC000  }
.LBB2_5:
0x45: {  	_ =	swait.ge [sflag:s16], $0x4000  }
0x46: {  	[sflag:s16] =	ssyncset.done $0x0  }
0x47: {  	[sflag:s16] =	ssyncadd.s32 $0xFFFFC000  }
.LBB2_6:
0x48: {  	s23 =	sadd.s32 $0x80, s22  }
0x49: {  	s24 =	sand.u32 $0xFFF8, s23  }
0x4a: {  	s24 =	sshrl.u32 s24, $0x3  }
0x4b: {  	s24 =	smul.u32 $0x147B, s24;
	_ =	sdelay $0x1  }
0x4c: {  	s24 =	sshrl.u32 s24, $0x11  }
0x4d: {  	s24 =	smul.u32 $0xC8, s24;
	_ =	sdelay $0x1  }
0x4e: {  	s23 =	ssub.s32 s23, s24  }
0x4f: {  	s23 =	sshll.u32 s23, $0x6  }
0x50: {  	v0 =	vld [tilespmem:$0x10800];
	s23 =	sand.u32 $0xFFC0, s23  }
0x51: {  	v1 =	vld [tilespmem:s23+$0x6400];
	_ =	sdelay $0x4  }
0x52: {  	v0 =	vadd.f32 v1, v0;
	_ =	sdelay $0x1  }
0x53: {  	v58 =	vld [tilespmem:$0x10810];
	[tilespmem:$0x18800] =	vst v0  }
0x54: {  	v59 =	vld [tilespmem:s23+$0x6410];
	_ =	sdelay $0x4  }
0x55: {  	v0 =	vadd.f32 v59, v58;
	_ =	sdelay $0x1  }
0x56: {  	v60 =	vld [tilespmem:$0x10820];
	[tilespmem:$0x18810] =	vst v0  }
0x57: {  	v61 =	vld [tilespmem:s23+$0x6420];
	_ =	sdelay $0x4  }
0x58: {  	v0 =	vadd.f32 v61, v60;
	_ =	sdelay $0x1  }
0x59: {  	v62 =	vld [tilespmem:$0x10830];
	[tilespmem:$0x18820] =	vst v0  }
0x5a: {  	v63 =	vld [tilespmem:s23+$0x6430];
	_ =	sdelay $0x2  }
0x5b: {  	p0 =	seq.s32 s22, $0x6300  }
.Ltmp5:
0x5c: {  	_ = 	snop;
	(pc) =	sbr.rel @p0 .LBB2_8-.Ltmp5, $3  }
0x5d: {  	v0 =	vadd.f32 v63, v62;
	_ =	sdelay $0x1  }
0x5e: {  	[tilespmem:$0x18830] =	vst v0  }
0x5f: {  	[hbm4b:s21+s4] =	stream.linear.scatter [tilespmem:s17], [sflag:$0x4], $0x4000, $0x38;
	[tilespmem:$0x1C800] =	vst v63  }
.Ltmp6:
0x60: {  	(pc) =	sbr.rel .LBB2_2-.Ltmp6, $3  }
0x61: {  	_ =	sdelay $0x1  }
0x62: {  	[tilespmem:s12], [sflag:$0x2] =	stream.indirect.gather [hbm4b:s1+s10], $0x80, s20, s10, $0xb8;
	[tilespmem:$0x1C800] =	vst v63  }
0x63: {  	s20 =	sadd.s32 $0x100, s20;
	s22 =	sadd.s32 $0x100, s22;
	s21 =	sadd.s32 $0x1000, s21  }
.LBB2_9:
0x64: {  	_ =	sfence.sel $0x180000  }
0x65: {  	[bflag:$0x0] =	sbarrier.arrive $0xFFFF  }
0x66: {  	p0 =	sne.s32 s3, $0x0;
	_ =	strace $0x90000047  }
0x67: {  	s0 =	sadd.s32 @!p0 $0x100000, s0;
	[bflag:$0x2] =	sbarrier.arrive $0xFFFF  }
0x68: {  	[sflag:s0] =	ssyncadd.tile.s32 @!p0 $0x1;
	_ =	shalt  }
.Lfunc_end2:
_tile_overlayer_lowered:
.L_overlay_start_2:
0x69: {  	(tag) =	ssettag $0x2  }
0x6a: {  	s0 =	rddreg [dreg:$0x0];
	s2 =	stileid.u32  }
0x6b: {  	s1 =	rddreg [dreg:$0x1];
	p0 =	sne.s32 s2, $0x0  }
0x6c: {  	s3 =	rddreg [dreg:$0x2];
	[bflag:$0x3] =	sbarrier.arrive $0xFFFF;
	s2 =	simm.s32 @!p0 $0x1C05  }
0x6d: {  	[timem:s3], [sflag:s2] =	dma.local @!p0 [hbm:s0], s1  }
0x6e: {  	s0 =	simm.s32 @!p0 $0x5  }
0x6f: {  	_ =	swait.ge @!p0 [sflag:s0], s1  }
0x70: {  	s1 =	ssub.s32 @!p0 $0x0, s1;
	[sflag:s0] =	ssyncset.done @!p0 $0x0  }
0x71: {  	[sflag:s0] =	ssyncadd.s32 @!p0 s1  }
0x72: {  	[bflag:$0x3] =	sbarrier.arrive $0xFFFF  }
0x73: {  	_ =	shalt  }

</sc_bundles>
